<compile_context>
chip_gen: v7x
topology: tpu7x:2x2x1
jax: 0.10.2.dev20260603
libtpu: 0.0.44.dev20260713+nightly
codegen_flags: <defaults>
</compile_context>

<pallas_src>
import functools

import jax
import jax.numpy as jnp
from jax import lax
from jax.experimental import pallas as pl
from jax.experimental.pallas import tpu as pltpu
from jax.experimental.pallas import tpu_sc as plsc

NC = 2
NS = 16
NW = NC * NS

CH = 128
_NBUF = 4


_BLKV = 8064
_NREG = 62
_H = _BLKV * _NREG


def _tr(t, eye):
    return lax.dot_general(t, eye, (((0,), (0,)), ((), ())),
                           preferred_element_type=jnp.float32)


def _repack_body(t0_ref, t1_ref, eye_ref, o_ref):
    i = pl.program_id(0)
    D = t0_ref.shape[0]
    eye = eye_ref[...]

    @pl.when(i < _NREG)
    def _():
        o_ref[:, :D] = _tr(t0_ref[...], eye)
        o_ref[:, D:] = _tr(t1_ref[...], eye)

    @pl.when(i == _NREG)
    def _():
        t = t0_ref[...]
        o_ref[:32, :D] = _tr(t[:, :32], eye)
        o_ref[:32, D:] = _tr(t[:, 32:64], eye)


def _repack(tT):
    D, V = tT.shape
    eye = jnp.eye(D, dtype=jnp.float32)
    return pl.pallas_call(
        _repack_body,
        grid=(_NREG + 1,),
        in_specs=[
            pl.BlockSpec((D, _BLKV),
                         lambda i: (0, jnp.where(i == _NREG, 2 * _NREG, i))),
            pl.BlockSpec((D, _BLKV),
                         lambda i: (0, jnp.where(i == _NREG, 0, i + _NREG))),
            pl.BlockSpec((D, D), lambda i: (0, 0)),
        ],
        out_specs=pl.BlockSpec((_BLKV, 2 * D), lambda i: (i, 0)),
        out_shape=jax.ShapeDtypeStruct((V // 2, 2 * D), jnp.float32),
    )(tT, tT, eye)


def _make_gather(B, D):
    b_per_w = B // NW
    nch = b_per_w // CH
    mesh = plsc.VectorSubcoreMesh(core_axis_name="c", subcore_axis_name="s")

    @functools.partial(
        pl.kernel,
        mesh=mesh,
        compiler_params=pltpu.CompilerParams(use_tc_tiling_on_sc=False),
        out_type=jax.ShapeDtypeStruct((B, D), jnp.float32),
        scratch_types=[
            pltpu.VMEM((nch, CH), jnp.int32),
        ]
        + [pltpu.VMEM((CH, D), jnp.float32) for _ in range(_NBUF)]
        + [pltpu.SemaphoreType.DMA for _ in range(_NBUF)],
    )
    def gather_k(idx_hbm, table_hbm, out_hbm, idx_v, *bufs_sems):
        rows = bufs_sems[:_NBUF]
        sems = bufs_sems[_NBUF:]
        wid = lax.axis_index("s") * NC + lax.axis_index("c")
        base = wid * b_per_w
        pltpu.sync_copy(idx_hbm.at[wid], idx_v)
        for b in range(_NBUF):
            pltpu.async_copy(table_hbm.at[idx_v.at[b]], rows[b], sems[b])

        def step(j, rows_b, sem_b):
            pltpu.make_async_copy(table_hbm.at[idx_v.at[j]], rows_b,
                                  sem_b).wait()
            pltpu.sync_copy(rows_b, out_hbm.at[pl.ds(base + j * CH, CH)])

            @pl.when(j + _NBUF < nch)
            def _():
                pltpu.async_copy(table_hbm.at[idx_v.at[j + _NBUF]], rows_b,
                                 sem_b)

        def body(jg, carry):
            for b in range(_NBUF):
                step(_NBUF * jg + b, rows[b], sems[b])
            return carry

        lax.fori_loop(0, nch // _NBUF, body, 0)

    return gather_k


def _mm_compute(e_ref, w_ref, o_ref):
    y = lax.dot_general(
        w_ref[...], e_ref[0],
        (((1,), (1,)), ((), ())),
        preferred_element_type=jnp.float32,
    )
    half = y.shape[1]
    O = o_ref.shape[1]
    o_ref[0, :, :half] = y[:O, :]
    o_ref[0, :, half:] = y[O:, :]


def _matmul(ep3, w2, L, Bt, O):
    half = Bt // 2
    return pl.pallas_call(
        _mm_compute,
        grid=(L,),
        in_specs=[
            pl.BlockSpec((1, half, w2.shape[0]), lambda i: (i, 0, 0)),
            pl.BlockSpec(w2.shape, lambda i: (0, 0)),
        ],
        out_specs=pl.BlockSpec((1, O, Bt), lambda i: (i, 0, 0)),
        out_shape=jax.ShapeDtypeStruct((L, O, Bt), jnp.float32),
    )(ep3, w2)


def kernel(x, emb_table, fc_w):
    Bt, L = x.shape
    B = Bt * L
    D = emb_table.shape[1]
    O = fc_w.shape[0]

    tT = jnp.transpose(emb_table)
    t2d = _repack(tT)
    t_rm = t2d.reshape(emb_table.shape)

    xT = jnp.transpose(x)
    xp = jnp.transpose(xT.reshape(L, 2, Bt // 2), (0, 2, 1))
    xp = jnp.where(
        xp < _H, 2 * xp,
        jnp.where(xp < 2 * _H, 2 * (xp - _H) + 1,
                  jnp.where(xp < 2 * _H + 32, 2 * xp - 2 * _H,
                            2 * xp - 999999)))
    idx = xp.reshape(NW, (B // NW) // CH, CH).astype(jnp.int32)

    e = _make_gather(B, D)(idx, t_rm)
    ep3 = e.reshape(L, Bt // 2, 2 * D)

    w2 = jnp.zeros((2 * D, 2 * O), jnp.float32)
    w2 = w2.at[:O, :D].set(fc_w).at[O:, D:].set(fc_w)
    out_t = _matmul(ep3, w2, L, Bt, O)
    return jnp.transpose(out_t, (2, 0, 1))

# --- scband reference (transcript-rebuilt; emitter-appended) ---
"""Pipeline reference for scband-model-31044023615902 (READ-ONLY COPY).

The authoritative reference and input builder live on the scoring server;
editing this copy changes nothing except your own understanding.
"""

import jax, jax.numpy as jnp
import numpy as np

VOCAB = 1000000
EMBED_DIM = 64
OUT_DIM = 64
BATCH = 16384
HIST = 50

def setup_inputs(seed: int = 0) -> dict:
    key = jax.random.key(seed)
    k1, k2, k3 = jax.random.split(key, 3)
    x = jax.random.randint(k1, (BATCH, HIST), 0, VOCAB, dtype=jnp.int64 if jax.config.read('jax_enable_x64') else jnp.int32)
    emb_table = jax.random.normal(k2, (VOCAB, EMBED_DIM), dtype=jnp.float32)
    fc_w = jax.random.normal(k3, (OUT_DIM, EMBED_DIM), dtype=jnp.float32) * (1.0 / np.sqrt(EMBED_DIM))
    return {"x": x, "emb_table": emb_table, "fc_w": fc_w}

def reference(x, emb_table, fc_w):
    # embedding lookup: gather rows from the table
    e = jnp.take(emb_table, x, axis=0)          # [B, L, EMBED_DIM]
    # linear (no bias): y = e @ W^T  (torch Linear weight is [out, in])
    out = e @ fc_w.T                             # [B, L, OUT_DIM]
    return out

if __name__ == "__main__":
    import jax
    _d = setup_inputs()
    print(jax.jit(kernel)(*tuple(_d.values())))

</pallas_src>

<mosaic_0001>
#map = affine_map<(d0, d1) -> (0, 0, 0)>
#map1 = affine_map<(d0, d1) -> (0, 0)>
module attributes {stable_mosaic.version = 14 : i64} {
  func.func @gather_k(%arg0: i32, %arg1: i32, %arg2: memref<32x200x128xi32, #tpu.memory_space<hbm>>, %arg3: memref<1000000x64xf32, #tpu.memory_space<hbm>>, %arg4: memref<819200x64xf32, #tpu.memory_space<hbm>>, %arg5: memref<200x128xi32, #tpu.memory_space<vmem>>, %arg6: memref<128x64xf32, #tpu.memory_space<vmem>>, %arg7: memref<128x64xf32, #tpu.memory_space<vmem>>, %arg8: memref<128x64xf32, #tpu.memory_space<vmem>>, %arg9: memref<128x64xf32, #tpu.memory_space<vmem>>, %arg10: memref<!tpu.dma_semaphore, #tpu.memory_space<semaphore_mem>>, %arg11: memref<!tpu.dma_semaphore, #tpu.memory_space<semaphore_mem>>, %arg12: memref<!tpu.dma_semaphore, #tpu.memory_space<semaphore_mem>>, %arg13: memref<!tpu.dma_semaphore, #tpu.memory_space<semaphore_mem>>) attributes {dimension_semantics = [#tpu.dimension_semantics<core_parallel>, #tpu.dimension_semantics<subcore_parallel>], iteration_bounds = array<i64: 2, 16>, scalar_prefetch = 0 : i64, scratch_operands = 9 : i64, tpu.core_type = #tpu.core_type<sc_vector_subcore>, window_params = [{transform_indices = #map}, {transform_indices = #map1}, {transform_indices = #map1}]} {
    %mul3A = arith.constant 2 : i32
    %mul3A_0 = arith.muli %arg1, %mul3A : i32
    %add3A = arith.addi %mul3A_0, %arg0 : i32
    %mul3A_1 = arith.constant 25600 : i32
    %mul3A_2 = arith.muli %add3A, %mul3A_1 : i32
    "tpu.region"() ({
      %run_scoped3A = tpu.sem_alloc : memref<!tpu.dma_semaphore, #tpu.memory_space<semaphore_mem>>
      %dma_start3A_35 = arith.constant 0 : i32
      %dma_start3A_36 = arith.constant 0 : i32
      %dma_start3A_37 = tpu.memref_slice %arg2[%add3A, %dma_start3A_35, %dma_start3A_36] : memref<32x200x128xi32, #tpu.memory_space<hbm>> -> memref<1x200x128xi32, #tpu.memory_space<hbm>>
      %dma_start3A_38 = tpu.memref_squeeze %dma_start3A_37 : memref<1x200x128xi32, #tpu.memory_space<hbm>> -> memref<200x128xi32, #tpu.memory_space<hbm>>
      %dma_start3A_39 = arith.constant 0 : i32
      %dma_start3A_40 = arith.constant 0 : i32
      %dma_start3A_41 = tpu.memref_slice %arg2[%add3A, %dma_start3A_39, %dma_start3A_40] : memref<32x200x128xi32, #tpu.memory_space<hbm>> -> memref<1x200x128xi32, #tpu.memory_space<hbm>>
      %dma_start3A_42 = tpu.memref_squeeze %dma_start3A_41 : memref<1x200x128xi32, #tpu.memory_space<hbm>> -> memref<200x128xi32, #tpu.memory_space<hbm>>
      tpu.enqueue_dma source(%dma_start3A_42 : memref<200x128xi32, #tpu.memory_space<hbm>>) target(%arg5 : memref<200x128xi32, #tpu.memory_space<vmem>>) target_semaphore(%run_scoped3A : memref<!tpu.dma_semaphore, #tpu.memory_space<semaphore_mem>>)
      %dma_wait3A = arith.constant 0 : i32
      %dma_wait3A_43 = arith.constant 0 : i32
      %dma_wait3A_44 = tpu.memref_slice %arg2[%add3A, %dma_wait3A, %dma_wait3A_43] : memref<32x200x128xi32, #tpu.memory_space<hbm>> -> memref<1x200x128xi32, #tpu.memory_space<hbm>>
      %dma_wait3A_45 = tpu.memref_squeeze %dma_wait3A_44 : memref<1x200x128xi32, #tpu.memory_space<hbm>> -> memref<200x128xi32, #tpu.memory_space<hbm>>
      %dma_wait3A_46 = arith.constant 0 : i32
      %dma_wait3A_47 = arith.constant 0 : i32
      %dma_wait3A_48 = tpu.memref_slice %arg2[%add3A, %dma_wait3A_46, %dma_wait3A_47] : memref<32x200x128xi32, #tpu.memory_space<hbm>> -> memref<1x200x128xi32, #tpu.memory_space<hbm>>
      %dma_wait3A_49 = tpu.memref_squeeze %dma_wait3A_48 : memref<1x200x128xi32, #tpu.memory_space<hbm>> -> memref<200x128xi32, #tpu.memory_space<hbm>>
      tpu.wait_dma2 semaphore(%run_scoped3A : memref<!tpu.dma_semaphore, #tpu.memory_space<semaphore_mem>>) src(%dma_wait3A_49 : memref<200x128xi32, #tpu.memory_space<hbm>>) dst(%arg5 : memref<200x128xi32, #tpu.memory_space<vmem>>)
      tpu.yield
    }) : () -> ()
    %dma_start3A = arith.constant 0 : i32
    %dma_start3A_3 = arith.constant 0 : i32
    %dma_start3A_4 = tpu.memref_slice %arg5[%dma_start3A, %dma_start3A_3] : memref<200x128xi32, #tpu.memory_space<vmem>> -> memref<1x128xi32, #tpu.memory_space<vmem>>
    %dma_start3A_5 = tpu.memref_squeeze %dma_start3A_4 : memref<1x128xi32, #tpu.memory_space<vmem>> -> memref<128xi32, #tpu.memory_space<vmem>>
    %dma_start3A_6 = arith.constant 0 : i32
    %dma_start3A_7 = arith.constant 0 : i32
    %dma_start3A_8 = tpu.memref_slice %arg3[%dma_start3A_6, %dma_start3A_7] : memref<1000000x64xf32, #tpu.memory_space<hbm>> -> memref<1000000x64xf32, #tpu.memory_space<hbm>>
    tpu.enqueue_indirect_dma source(%dma_start3A_8 : memref<1000000x64xf32, #tpu.memory_space<hbm>>) target(%arg6 : memref<128x64xf32, #tpu.memory_space<vmem>>) offsets(%dma_start3A_5 : memref<128xi32, #tpu.memory_space<vmem>>) semaphore(%arg10 : memref<!tpu.dma_semaphore, #tpu.memory_space<semaphore_mem>>)
    %dma_start3A_9 = arith.constant 1 : i32
    %dma_start3A_10 = arith.constant 0 : i32
    %dma_start3A_11 = tpu.memref_slice %arg5[%dma_start3A_9, %dma_start3A_10] : memref<200x128xi32, #tpu.memory_space<vmem>> -> memref<1x128xi32, #tpu.memory_space<vmem>>
    %dma_start3A_12 = tpu.memref_squeeze %dma_start3A_11 : memref<1x128xi32, #tpu.memory_space<vmem>> -> memref<128xi32, #tpu.memory_space<vmem>>
    %dma_start3A_13 = arith.constant 0 : i32
    %dma_start3A_14 = arith.constant 0 : i32
    %dma_start3A_15 = tpu.memref_slice %arg3[%dma_start3A_13, %dma_start3A_14] : memref<1000000x64xf32, #tpu.memory_space<hbm>> -> memref<1000000x64xf32, #tpu.memory_space<hbm>>
    tpu.enqueue_indirect_dma source(%dma_start3A_15 : memref<1000000x64xf32, #tpu.memory_space<hbm>>) target(%arg7 : memref<128x64xf32, #tpu.memory_space<vmem>>) offsets(%dma_start3A_12 : memref<128xi32, #tpu.memory_space<vmem>>) semaphore(%arg11 : memref<!tpu.dma_semaphore, #tpu.memory_space<semaphore_mem>>)
    %dma_start3A_16 = arith.constant 2 : i32
    %dma_start3A_17 = arith.constant 0 : i32
    %dma_start3A_18 = tpu.memref_slice %arg5[%dma_start3A_16, %dma_start3A_17] : memref<200x128xi32, #tpu.memory_space<vmem>> -> memref<1x128xi32, #tpu.memory_space<vmem>>
    %dma_start3A_19 = tpu.memref_squeeze %dma_start3A_18 : memref<1x128xi32, #tpu.memory_space<vmem>> -> memref<128xi32, #tpu.memory_space<vmem>>
    %dma_start3A_20 = arith.constant 0 : i32
    %dma_start3A_21 = arith.constant 0 : i32
    %dma_start3A_22 = tpu.memref_slice %arg3[%dma_start3A_20, %dma_start3A_21] : memref<1000000x64xf32, #tpu.memory_space<hbm>> -> memref<1000000x64xf32, #tpu.memory_space<hbm>>
    tpu.enqueue_indirect_dma source(%dma_start3A_22 : memref<1000000x64xf32, #tpu.memory_space<hbm>>) target(%arg8 : memref<128x64xf32, #tpu.memory_space<vmem>>) offsets(%dma_start3A_19 : memref<128xi32, #tpu.memory_space<vmem>>) semaphore(%arg12 : memref<!tpu.dma_semaphore, #tpu.memory_space<semaphore_mem>>)
    %dma_start3A_23 = arith.constant 3 : i32
    %dma_start3A_24 = arith.constant 0 : i32
    %dma_start3A_25 = tpu.memref_slice %arg5[%dma_start3A_23, %dma_start3A_24] : memref<200x128xi32, #tpu.memory_space<vmem>> -> memref<1x128xi32, #tpu.memory_space<vmem>>
    %dma_start3A_26 = tpu.memref_squeeze %dma_start3A_25 : memref<1x128xi32, #tpu.memory_space<vmem>> -> memref<128xi32, #tpu.memory_space<vmem>>
    %dma_start3A_27 = arith.constant 0 : i32
    %dma_start3A_28 = arith.constant 0 : i32
    %dma_start3A_29 = tpu.memref_slice %arg3[%dma_start3A_27, %dma_start3A_28] : memref<1000000x64xf32, #tpu.memory_space<hbm>> -> memref<1000000x64xf32, #tpu.memory_space<hbm>>
    tpu.enqueue_indirect_dma source(%dma_start3A_29 : memref<1000000x64xf32, #tpu.memory_space<hbm>>) target(%arg9 : memref<128x64xf32, #tpu.memory_space<vmem>>) offsets(%dma_start3A_26 : memref<128xi32, #tpu.memory_space<vmem>>) semaphore(%arg13 : memref<!tpu.dma_semaphore, #tpu.memory_space<semaphore_mem>>)
    %scan3A = arith.constant 0 : i32
    %scan3A_30 = arith.constant 0 : i32
    %scan3A_31 = arith.constant 50 : i32
    %scan3A_32 = arith.addi %scan3A_30, %scan3A_31 : i32
    %scan3A_33 = arith.constant 1 : i32
    scf.for %scan3A_35 = %scan3A_30 to %scan3A_32 step %scan3A_33  : i32 {
      %mul3A_36 = arith.constant 4 : i32
      %mul3A_37 = arith.muli %mul3A_36, %scan3A_35 : i32
      %add3A_38 = arith.constant 0 : i32
      %add3A_39 = arith.addi %mul3A_37, %add3A_38 : i32
      %dma_wait3A = arith.constant 0 : i32
      %dma_wait3A_40 = tpu.memref_slice %arg5[%add3A_39, %dma_wait3A] : memref<200x128xi32, #tpu.memory_space<vmem>> -> memref<1x128xi32, #tpu.memory_space<vmem>>
      %dma_wait3A_41 = tpu.memref_squeeze %dma_wait3A_40 : memref<1x128xi32, #tpu.memory_space<vmem>> -> memref<128xi32, #tpu.memory_space<vmem>>
      %dma_wait3A_42 = arith.constant 0 : i32
      %dma_wait3A_43 = arith.constant 0 : i32
      %dma_wait3A_44 = tpu.memref_slice %arg3[%dma_wait3A_42, %dma_wait3A_43] : memref<1000000x64xf32, #tpu.memory_space<hbm>> -> memref<1000000x64xf32, #tpu.memory_space<hbm>>
      tpu.wait_indirect_dma semaphore(%arg10 : memref<!tpu.dma_semaphore, #tpu.memory_space<semaphore_mem>>) src(%dma_wait3A_44 : memref<1000000x64xf32, #tpu.memory_space<hbm>>) dst(%arg6 : memref<128x64xf32, #tpu.memory_space<vmem>>)
      %mul3A_45 = arith.constant 128 : i32
      %mul3A_46 = arith.muli %add3A_39, %mul3A_45 : i32
      %add3A_47 = arith.addi %mul3A_2, %mul3A_46 : i32
      "tpu.region"() ({
        %run_scoped3A = tpu.sem_alloc : memref<!tpu.dma_semaphore, #tpu.memory_space<semaphore_mem>>
        %dma_start3A_112 = arith.constant 0 : i32
        %dma_start3A_113 = tpu.memref_slice %arg4[%add3A_47, %dma_start3A_112] : memref<819200x64xf32, #tpu.memory_space<hbm>> -> memref<128x64xf32, #tpu.memory_space<hbm>>
        %dma_start3A_114 = arith.constant 0 : i32
        %dma_start3A_115 = tpu.memref_slice %arg4[%add3A_47, %dma_start3A_114] : memref<819200x64xf32, #tpu.memory_space<hbm>> -> memref<128x64xf32, #tpu.memory_space<hbm>>
        tpu.enqueue_dma source(%arg6 : memref<128x64xf32, #tpu.memory_space<vmem>>) target(%dma_start3A_115 : memref<128x64xf32, #tpu.memory_space<hbm>>) target_semaphore(%run_scoped3A : memref<!tpu.dma_semaphore, #tpu.memory_space<semaphore_mem>>)
        %dma_wait3A_116 = arith.constant 0 : i32
        %dma_wait3A_117 = tpu.memref_slice %arg4[%add3A_47, %dma_wait3A_116] : memref<819200x64xf32, #tpu.memory_space<hbm>> -> memref<128x64xf32, #tpu.memory_space<hbm>>
        %dma_wait3A_118 = arith.constant 0 : i32
        %dma_wait3A_119 = tpu.memref_slice %arg4[%add3A_47, %dma_wait3A_118] : memref<819200x64xf32, #tpu.memory_space<hbm>> -> memref<128x64xf32, #tpu.memory_space<hbm>>
        tpu.wait_dma2 semaphore(%run_scoped3A : memref<!tpu.dma_semaphore, #tpu.memory_space<semaphore_mem>>) src(%arg6 : memref<128x64xf32, #tpu.memory_space<vmem>>) dst(%dma_wait3A_119 : memref<128x64xf32, #tpu.memory_space<hbm>>)
        tpu.yield
      }) : () -> ()
      %add3A_48 = arith.constant 4 : i32
      %add3A_49 = arith.addi %add3A_39, %add3A_48 : i32
      %lt3A = arith.constant 200 : i32
      %lt3A_50 = arith.cmpi slt, %add3A_49, %lt3A : i32
      %convert_element_type3A = arith.extui %lt3A_50 : i1 to i32
      %cond3A = arith.constant 0 : i32
      %cond3A_51 = arith.cmpi ne, %convert_element_type3A, %cond3A : i32
      scf.if %cond3A_51 {
        %add3A_112 = arith.constant 4 : i32
        %add3A_113 = arith.addi %add3A_39, %add3A_112 : i32
        %dma_start3A_114 = arith.constant 0 : i32
        %dma_start3A_115 = tpu.memref_slice %arg5[%add3A_113, %dma_start3A_114] : memref<200x128xi32, #tpu.memory_space<vmem>> -> memref<1x128xi32, #tpu.memory_space<vmem>>
        %dma_start3A_116 = tpu.memref_squeeze %dma_start3A_115 : memref<1x128xi32, #tpu.memory_space<vmem>> -> memref<128xi32, #tpu.memory_space<vmem>>
        %dma_start3A_117 = arith.constant 0 : i32
        %dma_start3A_118 = arith.constant 0 : i32
        %dma_start3A_119 = tpu.memref_slice %arg3[%dma_start3A_117, %dma_start3A_118] : memref<1000000x64xf32, #tpu.memory_space<hbm>> -> memref<1000000x64xf32, #tpu.memory_space<hbm>>
        tpu.enqueue_indirect_dma source(%dma_start3A_119 : memref<1000000x64xf32, #tpu.memory_space<hbm>>) target(%arg6 : memref<128x64xf32, #tpu.memory_space<vmem>>) offsets(%dma_start3A_116 : memref<128xi32, #tpu.memory_space<vmem>>) semaphore(%arg10 : memref<!tpu.dma_semaphore, #tpu.memory_space<semaphore_mem>>)
      } else {
      }
      %mul3A_52 = arith.constant 4 : i32
      %mul3A_53 = arith.muli %mul3A_52, %scan3A_35 : i32
      %add3A_54 = arith.constant 1 : i32
      %add3A_55 = arith.addi %mul3A_53, %add3A_54 : i32
      %dma_wait3A_56 = arith.constant 0 : i32
      %dma_wait3A_57 = tpu.memref_slice %arg5[%add3A_55, %dma_wait3A_56] : memref<200x128xi32, #tpu.memory_space<vmem>> -> memref<1x128xi32, #tpu.memory_space<vmem>>
      %dma_wait3A_58 = tpu.memref_squeeze %dma_wait3A_57 : memref<1x128xi32, #tpu.memory_space<vmem>> -> memref<128xi32, #tpu.memory_space<vmem>>
      %dma_wait3A_59 = arith.constant 0 : i32
      %dma_wait3A_60 = arith.constant 0 : i32
      %dma_wait3A_61 = tpu.memref_slice %arg3[%dma_wait3A_59, %dma_wait3A_60] : memref<1000000x64xf32, #tpu.memory_space<hbm>> -> memref<1000000x64xf32, #tpu.memory_space<hbm>>
      tpu.wait_indirect_dma semaphore(%arg11 : memref<!tpu.dma_semaphore, #tpu.memory_space<semaphore_mem>>) src(%dma_wait3A_61 : memref<1000000x64xf32, #tpu.memory_space<hbm>>) dst(%arg7 : memref<128x64xf32, #tpu.memory_space<vmem>>)
      %mul3A_62 = arith.constant 128 : i32
      %mul3A_63 = arith.muli %add3A_55, %mul3A_62 : i32
      %add3A_64 = arith.addi %mul3A_2, %mul3A_63 : i32
      "tpu.region"() ({
        %run_scoped3A = tpu.sem_alloc : memref<!tpu.dma_semaphore, #tpu.memory_space<semaphore_mem>>
        %dma_start3A_112 = arith.constant 0 : i32
        %dma_start3A_113 = tpu.memref_slice %arg4[%add3A_64, %dma_start3A_112] : memref<819200x64xf32, #tpu.memory_space<hbm>> -> memref<128x64xf32, #tpu.memory_space<hbm>>
        %dma_start3A_114 = arith.constant 0 : i32
        %dma_start3A_115 = tpu.memref_slice %arg4[%add3A_64, %dma_start3A_114] : memref<819200x64xf32, #tpu.memory_space<hbm>> -> memref<128x64xf32, #tpu.memory_space<hbm>>
        tpu.enqueue_dma source(%arg7 : memref<128x64xf32, #tpu.memory_space<vmem>>) target(%dma_start3A_115 : memref<128x64xf32, #tpu.memory_space<hbm>>) target_semaphore(%run_scoped3A : memref<!tpu.dma_semaphore, #tpu.memory_space<semaphore_mem>>)
        %dma_wait3A_116 = arith.constant 0 : i32
        %dma_wait3A_117 = tpu.memref_slice %arg4[%add3A_64, %dma_wait3A_116] : memref<819200x64xf32, #tpu.memory_space<hbm>> -> memref<128x64xf32, #tpu.memory_space<hbm>>
        %dma_wait3A_118 = arith.constant 0 : i32
        %dma_wait3A_119 = tpu.memref_slice %arg4[%add3A_64, %dma_wait3A_118] : memref<819200x64xf32, #tpu.memory_space<hbm>> -> memref<128x64xf32, #tpu.memory_space<hbm>>
        tpu.wait_dma2 semaphore(%run_scoped3A : memref<!tpu.dma_semaphore, #tpu.memory_space<semaphore_mem>>) src(%arg7 : memref<128x64xf32, #tpu.memory_space<vmem>>) dst(%dma_wait3A_119 : memref<128x64xf32, #tpu.memory_space<hbm>>)
        tpu.yield
      }) : () -> ()
      %add3A_65 = arith.constant 4 : i32
      %add3A_66 = arith.addi %add3A_55, %add3A_65 : i32
      %lt3A_67 = arith.constant 200 : i32
      %lt3A_68 = arith.cmpi slt, %add3A_66, %lt3A_67 : i32
      %convert_element_type3A_69 = arith.extui %lt3A_68 : i1 to i32
      %cond3A_70 = arith.constant 0 : i32
      %cond3A_71 = arith.cmpi ne, %convert_element_type3A_69, %cond3A_70 : i32
      scf.if %cond3A_71 {
        %add3A_112 = arith.constant 4 : i32
        %add3A_113 = arith.addi %add3A_55, %add3A_112 : i32
        %dma_start3A_114 = arith.constant 0 : i32
        %dma_start3A_115 = tpu.memref_slice %arg5[%add3A_113, %dma_start3A_114] : memref<200x128xi32, #tpu.memory_space<vmem>> -> memref<1x128xi32, #tpu.memory_space<vmem>>
        %dma_start3A_116 = tpu.memref_squeeze %dma_start3A_115 : memref<1x128xi32, #tpu.memory_space<vmem>> -> memref<128xi32, #tpu.memory_space<vmem>>
        %dma_start3A_117 = arith.constant 0 : i32
        %dma_start3A_118 = arith.constant 0 : i32
        %dma_start3A_119 = tpu.memref_slice %arg3[%dma_start3A_117, %dma_start3A_118] : memref<1000000x64xf32, #tpu.memory_space<hbm>> -> memref<1000000x64xf32, #tpu.memory_space<hbm>>
        tpu.enqueue_indirect_dma source(%dma_start3A_119 : memref<1000000x64xf32, #tpu.memory_space<hbm>>) target(%arg7 : memref<128x64xf32, #tpu.memory_space<vmem>>) offsets(%dma_start3A_116 : memref<128xi32, #tpu.memory_space<vmem>>) semaphore(%arg11 : memref<!tpu.dma_semaphore, #tpu.memory_space<semaphore_mem>>)
      } else {
      }
      %mul3A_72 = arith.constant 4 : i32
      %mul3A_73 = arith.muli %mul3A_72, %scan3A_35 : i32
      %add3A_74 = arith.constant 2 : i32
      %add3A_75 = arith.addi %mul3A_73, %add3A_74 : i32
      %dma_wait3A_76 = arith.constant 0 : i32
      %dma_wait3A_77 = tpu.memref_slice %arg5[%add3A_75, %dma_wait3A_76] : memref<200x128xi32, #tpu.memory_space<vmem>> -> memref<1x128xi32, #tpu.memory_space<vmem>>
      %dma_wait3A_78 = tpu.memref_squeeze %dma_wait3A_77 : memref<1x128xi32, #tpu.memory_space<vmem>> -> memref<128xi32, #tpu.memory_space<vmem>>
      %dma_wait3A_79 = arith.constant 0 : i32
      %dma_wait3A_80 = arith.constant 0 : i32
      %dma_wait3A_81 = tpu.memref_slice %arg3[%dma_wait3A_79, %dma_wait3A_80] : memref<1000000x64xf32, #tpu.memory_space<hbm>> -> memref<1000000x64xf32, #tpu.memory_space<hbm>>
      tpu.wait_indirect_dma semaphore(%arg12 : memref<!tpu.dma_semaphore, #tpu.memory_space<semaphore_mem>>) src(%dma_wait3A_81 : memref<1000000x64xf32, #tpu.memory_space<hbm>>) dst(%arg8 : memref<128x64xf32, #tpu.memory_space<vmem>>)
      %mul3A_82 = arith.constant 128 : i32
      %mul3A_83 = arith.muli %add3A_75, %mul3A_82 : i32
      %add3A_84 = arith.addi %mul3A_2, %mul3A_83 : i32
      "tpu.region"() ({
        %run_scoped3A = tpu.sem_alloc : memref<!tpu.dma_semaphore, #tpu.memory_space<semaphore_mem>>
        %dma_start3A_112 = arith.constant 0 : i32
        %dma_start3A_113 = tpu.memref_slice %arg4[%add3A_84, %dma_start3A_112] : memref<819200x64xf32, #tpu.memory_space<hbm>> -> memref<128x64xf32, #tpu.memory_space<hbm>>
        %dma_start3A_114 = arith.constant 0 : i32
        %dma_start3A_115 = tpu.memref_slice %arg4[%add3A_84, %dma_start3A_114] : memref<819200x64xf32, #tpu.memory_space<hbm>> -> memref<128x64xf32, #tpu.memory_space<hbm>>
        tpu.enqueue_dma source(%arg8 : memref<128x64xf32, #tpu.memory_space<vmem>>) target(%dma_start3A_115 : memref<128x64xf32, #tpu.memory_space<hbm>>) target_semaphore(%run_scoped3A : memref<!tpu.dma_semaphore, #tpu.memory_space<semaphore_mem>>)
        %dma_wait3A_116 = arith.constant 0 : i32
        %dma_wait3A_117 = tpu.memref_slice %arg4[%add3A_84, %dma_wait3A_116] : memref<819200x64xf32, #tpu.memory_space<hbm>> -> memref<128x64xf32, #tpu.memory_space<hbm>>
        %dma_wait3A_118 = arith.constant 0 : i32
        %dma_wait3A_119 = tpu.memref_slice %arg4[%add3A_84, %dma_wait3A_118] : memref<819200x64xf32, #tpu.memory_space<hbm>> -> memref<128x64xf32, #tpu.memory_space<hbm>>
        tpu.wait_dma2 semaphore(%run_scoped3A : memref<!tpu.dma_semaphore, #tpu.memory_space<semaphore_mem>>) src(%arg8 : memref<128x64xf32, #tpu.memory_space<vmem>>) dst(%dma_wait3A_119 : memref<128x64xf32, #tpu.memory_space<hbm>>)
        tpu.yield
      }) : () -> ()
      %add3A_85 = arith.constant 4 : i32
      %add3A_86 = arith.addi %add3A_75, %add3A_85 : i32
      %lt3A_87 = arith.constant 200 : i32
      %lt3A_88 = arith.cmpi slt, %add3A_86, %lt3A_87 : i32
      %convert_element_type3A_89 = arith.extui %lt3A_88 : i1 to i32
      %cond3A_90 = arith.constant 0 : i32
      %cond3A_91 = arith.cmpi ne, %convert_element_type3A_89, %cond3A_90 : i32
      scf.if %cond3A_91 {
        %add3A_112 = arith.constant 4 : i32
        %add3A_113 = arith.addi %add3A_75, %add3A_112 : i32
        %dma_start3A_114 = arith.constant 0 : i32
        %dma_start3A_115 = tpu.memref_slice %arg5[%add3A_113, %dma_start3A_114] : memref<200x128xi32, #tpu.memory_space<vmem>> -> memref<1x128xi32, #tpu.memory_space<vmem>>
        %dma_start3A_116 = tpu.memref_squeeze %dma_start3A_115 : memref<1x128xi32, #tpu.memory_space<vmem>> -> memref<128xi32, #tpu.memory_space<vmem>>
        %dma_start3A_117 = arith.constant 0 : i32
        %dma_start3A_118 = arith.constant 0 : i32
        %dma_start3A_119 = tpu.memref_slice %arg3[%dma_start3A_117, %dma_start3A_118] : memref<1000000x64xf32, #tpu.memory_space<hbm>> -> memref<1000000x64xf32, #tpu.memory_space<hbm>>
        tpu.enqueue_indirect_dma source(%dma_start3A_119 : memref<1000000x64xf32, #tpu.memory_space<hbm>>) target(%arg8 : memref<128x64xf32, #tpu.memory_space<vmem>>) offsets(%dma_start3A_116 : memref<128xi32, #tpu.memory_space<vmem>>) semaphore(%arg12 : memref<!tpu.dma_semaphore, #tpu.memory_space<semaphore_mem>>)
      } else {
      }
      %mul3A_92 = arith.constant 4 : i32
      %mul3A_93 = arith.muli %mul3A_92, %scan3A_35 : i32
      %add3A_94 = arith.constant 3 : i32
      %add3A_95 = arith.addi %mul3A_93, %add3A_94 : i32
      %dma_wait3A_96 = arith.constant 0 : i32
      %dma_wait3A_97 = tpu.memref_slice %arg5[%add3A_95, %dma_wait3A_96] : memref<200x128xi32, #tpu.memory_space<vmem>> -> memref<1x128xi32, #tpu.memory_space<vmem>>
      %dma_wait3A_98 = tpu.memref_squeeze %dma_wait3A_97 : memref<1x128xi32, #tpu.memory_space<vmem>> -> memref<128xi32, #tpu.memory_space<vmem>>
      %dma_wait3A_99 = arith.constant 0 : i32
      %dma_wait3A_100 = arith.constant 0 : i32
      %dma_wait3A_101 = tpu.memref_slice %arg3[%dma_wait3A_99, %dma_wait3A_100] : memref<1000000x64xf32, #tpu.memory_space<hbm>> -> memref<1000000x64xf32, #tpu.memory_space<hbm>>
      tpu.wait_indirect_dma semaphore(%arg13 : memref<!tpu.dma_semaphore, #tpu.memory_space<semaphore_mem>>) src(%dma_wait3A_101 : memref<1000000x64xf32, #tpu.memory_space<hbm>>) dst(%arg9 : memref<128x64xf32, #tpu.memory_space<vmem>>)
      %mul3A_102 = arith.constant 128 : i32
      %mul3A_103 = arith.muli %add3A_95, %mul3A_102 : i32
      %add3A_104 = arith.addi %mul3A_2, %mul3A_103 : i32
      "tpu.region"() ({
        %run_scoped3A = tpu.sem_alloc : memref<!tpu.dma_semaphore, #tpu.memory_space<semaphore_mem>>
        %dma_start3A_112 = arith.constant 0 : i32
        %dma_start3A_113 = tpu.memref_slice %arg4[%add3A_104, %dma_start3A_112] : memref<819200x64xf32, #tpu.memory_space<hbm>> -> memref<128x64xf32, #tpu.memory_space<hbm>>
        %dma_start3A_114 = arith.constant 0 : i32
        %dma_start3A_115 = tpu.memref_slice %arg4[%add3A_104, %dma_start3A_114] : memref<819200x64xf32, #tpu.memory_space<hbm>> -> memref<128x64xf32, #tpu.memory_space<hbm>>
        tpu.enqueue_dma source(%arg9 : memref<128x64xf32, #tpu.memory_space<vmem>>) target(%dma_start3A_115 : memref<128x64xf32, #tpu.memory_space<hbm>>) target_semaphore(%run_scoped3A : memref<!tpu.dma_semaphore, #tpu.memory_space<semaphore_mem>>)
        %dma_wait3A_116 = arith.constant 0 : i32
        %dma_wait3A_117 = tpu.memref_slice %arg4[%add3A_104, %dma_wait3A_116] : memref<819200x64xf32, #tpu.memory_space<hbm>> -> memref<128x64xf32, #tpu.memory_space<hbm>>
        %dma_wait3A_118 = arith.constant 0 : i32
        %dma_wait3A_119 = tpu.memref_slice %arg4[%add3A_104, %dma_wait3A_118] : memref<819200x64xf32, #tpu.memory_space<hbm>> -> memref<128x64xf32, #tpu.memory_space<hbm>>
        tpu.wait_dma2 semaphore(%run_scoped3A : memref<!tpu.dma_semaphore, #tpu.memory_space<semaphore_mem>>) src(%arg9 : memref<128x64xf32, #tpu.memory_space<vmem>>) dst(%dma_wait3A_119 : memref<128x64xf32, #tpu.memory_space<hbm>>)
        tpu.yield
      }) : () -> ()
      %add3A_105 = arith.constant 4 : i32
      %add3A_106 = arith.addi %add3A_95, %add3A_105 : i32
      %lt3A_107 = arith.constant 200 : i32
      %lt3A_108 = arith.cmpi slt, %add3A_106, %lt3A_107 : i32
      %convert_element_type3A_109 = arith.extui %lt3A_108 : i1 to i32
      %cond3A_110 = arith.constant 0 : i32
      %cond3A_111 = arith.cmpi ne, %convert_element_type3A_109, %cond3A_110 : i32
      scf.if %cond3A_111 {
        %add3A_112 = arith.constant 4 : i32
        %add3A_113 = arith.addi %add3A_95, %add3A_112 : i32
        %dma_start3A_114 = arith.constant 0 : i32
        %dma_start3A_115 = tpu.memref_slice %arg5[%add3A_113, %dma_start3A_114] : memref<200x128xi32, #tpu.memory_space<vmem>> -> memref<1x128xi32, #tpu.memory_space<vmem>>
        %dma_start3A_116 = tpu.memref_squeeze %dma_start3A_115 : memref<1x128xi32, #tpu.memory_space<vmem>> -> memref<128xi32, #tpu.memory_space<vmem>>
        %dma_start3A_117 = arith.constant 0 : i32
        %dma_start3A_118 = arith.constant 0 : i32
        %dma_start3A_119 = tpu.memref_slice %arg3[%dma_start3A_117, %dma_start3A_118] : memref<1000000x64xf32, #tpu.memory_space<hbm>> -> memref<1000000x64xf32, #tpu.memory_space<hbm>>
        tpu.enqueue_indirect_dma source(%dma_start3A_119 : memref<1000000x64xf32, #tpu.memory_space<hbm>>) target(%arg9 : memref<128x64xf32, #tpu.memory_space<vmem>>) offsets(%dma_start3A_116 : memref<128xi32, #tpu.memory_space<vmem>>) semaphore(%arg13 : memref<!tpu.dma_semaphore, #tpu.memory_space<semaphore_mem>>)
      } else {
      }
    }
    %scan3A_34 = arith.constant 50 : i32
    return
  }
}

module attributes {stable_mosaic.version = 14 : i64} {
  func.func @_repack_body(%arg0: i32, %arg1: memref<64x8064xf32, #tpu.memory_space<vmem>>, %arg2: memref<64x8064xf32, #tpu.memory_space<vmem>>, %arg3: memref<64x64xf32, #tpu.memory_space<vmem>>, %arg4: memref<8064x128xf32, #tpu.memory_space<vmem>>) attributes {dimension_semantics = [#tpu.dimension_semantics<arbitrary>], iteration_bounds = array<i64: 63>, scalar_prefetch = 0 : i64, scratch_operands = 0 : i64, tpu.core_type = #tpu.core_type<tc>, window_params = [{transform_indices = @transform_0, window_bounds = array<i64: 64, 8064>}, {transform_indices = @transform_1, window_bounds = array<i64: 64, 8064>}, {pipeline_mode = #tpu.pipeline_mode<synchronous>, transform_indices = @transform_2, window_bounds = array<i64: 64, 64>}, {transform_indices = @transform_3, window_bounds = array<i64: 8064, 128>}]} {
    %get3A = arith.constant 0 : index
    %get3A_0 = arith.constant 0 : index
    %get3A_1 = vector.load %arg3[%get3A, %get3A_0] : memref<64x64xf32, #tpu.memory_space<vmem>>, vector<64x64xf32>
    %lt3A = arith.constant 62 : i32
    %lt3A_2 = arith.cmpi slt, %arg0, %lt3A : i32
    %convert_element_type3A = arith.extui %lt3A_2 : i1 to i32
    %cond3A = arith.constant 0 : i32
    %cond3A_3 = arith.cmpi ne, %convert_element_type3A, %cond3A : i32
    scf.if %cond3A_3 {
      %get3A_8 = arith.constant 0 : index
      %get3A_9 = arith.constant 0 : index
      %get3A_10 = vector.load %arg1[%get3A_8, %get3A_9] : memref<64x8064xf32, #tpu.memory_space<vmem>>, vector<64x8064xf32>
      %dot_general3A = arith.constant dense<0.000000e+00> : vector<8064x64xf32>
      %dot_general3A_11 = tpu.matmul %get3A_10, %get3A_1, %dot_general3A {dimension_numbers = #tpu.dot_dimension_numbers<[0], [0], [1], [1], [0, 1, 1, 1], [], []>, transpose_lhs_hint = false} : vector<64x8064xf32>, vector<64x64xf32>, vector<8064x64xf32> -> vector<8064x64xf32>
      %swap3A = arith.constant 0 : index
      %swap3A_12 = arith.constant 0 : index
      %swap3A_13 = vector.load %arg4[%swap3A, %swap3A_12] : memref<8064x128xf32, #tpu.memory_space<vmem>>, vector<8064x64xf32>
      tpu.vector_store %arg4[%swap3A, %swap3A_12], %dot_general3A_11 {strides = array<i32>} : memref<8064x128xf32, #tpu.memory_space<vmem>>, vector<8064x64xf32>,
      %get3A_14 = arith.constant 0 : index
      %get3A_15 = arith.constant 0 : index
      %get3A_16 = vector.load %arg2[%get3A_14, %get3A_15] : memref<64x8064xf32, #tpu.memory_space<vmem>>, vector<64x8064xf32>
      %dot_general3A_17 = arith.constant dense<0.000000e+00> : vector<8064x64xf32>
      %dot_general3A_18 = tpu.matmul %get3A_16, %get3A_1, %dot_general3A_17 {dimension_numbers = #tpu.dot_dimension_numbers<[0], [0], [1], [1], [0, 1, 1, 1], [], []>, transpose_lhs_hint = false} : vector<64x8064xf32>, vector<64x64xf32>, vector<8064x64xf32> -> vector<8064x64xf32>
      %swap3A_19 = arith.constant 0 : index
      %swap3A_20 = arith.constant 64 : index
      %swap3A_21 = vector.load %arg4[%swap3A_19, %swap3A_20] : memref<8064x128xf32, #tpu.memory_space<vmem>>, vector<8064x64xf32>
      tpu.vector_store %arg4[%swap3A_19, %swap3A_20], %dot_general3A_18 {strides = array<i32>} : memref<8064x128xf32, #tpu.memory_space<vmem>>, vector<8064x64xf32>,
    } else {
    }
    %eq3A = arith.constant 62 : i32
    %eq3A_4 = arith.cmpi eq, %arg0, %eq3A : i32
    %convert_element_type3A_5 = arith.extui %eq3A_4 : i1 to i32
    %cond3A_6 = arith.constant 0 : i32
    %cond3A_7 = arith.cmpi ne, %convert_element_type3A_5, %cond3A_6 : i32
    scf.if %cond3A_7 {
      %get3A_8 = arith.constant 0 : index
      %get3A_9 = arith.constant 0 : index
      %get3A_10 = vector.load %arg1[%get3A_8, %get3A_9] : memref<64x8064xf32, #tpu.memory_space<vmem>>, vector<64x8064xf32>
      %slice3A = vector.extract_strided_slice %get3A_10 {offsets = [0, 0], sizes = [64, 32], strides = [1, 1]} : vector<64x8064xf32> to vector<64x32xf32>
      %dot_general3A = arith.constant dense<0.000000e+00> : vector<32x64xf32>
      %dot_general3A_11 = tpu.matmul %slice3A, %get3A_1, %dot_general3A {dimension_numbers = #tpu.dot_dimension_numbers<[0], [0], [1], [1], [0, 1, 1, 1], [], []>, transpose_lhs_hint = false} : vector<64x32xf32>, vector<64x64xf32>, vector<32x64xf32> -> vector<32x64xf32>
      %swap3A = arith.constant 0 : index
      %swap3A_12 = arith.constant 0 : index
      %swap3A_13 = vector.load %arg4[%swap3A, %swap3A_12] : memref<8064x128xf32, #tpu.memory_space<vmem>>, vector<32x64xf32>
      tpu.vector_store %arg4[%swap3A, %swap3A_12], %dot_general3A_11 {strides = array<i32>} : memref<8064x128xf32, #tpu.memory_space<vmem>>, vector<32x64xf32>,
      %slice3A_14 = vector.extract_strided_slice %get3A_10 {offsets = [0, 32], sizes = [64, 32], strides = [1, 1]} : vector<64x8064xf32> to vector<64x32xf32>
      %dot_general3A_15 = arith.constant dense<0.000000e+00> : vector<32x64xf32>
      %dot_general3A_16 = tpu.matmul %slice3A_14, %get3A_1, %dot_general3A_15 {dimension_numbers = #tpu.dot_dimension_numbers<[0], [0], [1], [1], [0, 1, 1, 1], [], []>, transpose_lhs_hint = false} : vector<64x32xf32>, vector<64x64xf32>, vector<32x64xf32> -> vector<32x64xf32>
      %swap3A_17 = arith.constant 0 : index
      %swap3A_18 = arith.constant 64 : index
      %swap3A_19 = vector.load %arg4[%swap3A_17, %swap3A_18] : memref<8064x128xf32, #tpu.memory_space<vmem>>, vector<32x64xf32>
      tpu.vector_store %arg4[%swap3A_17, %swap3A_18], %dot_general3A_16 {strides = array<i32>} : memref<8064x128xf32, #tpu.memory_space<vmem>>, vector<32x64xf32>,
    } else {
    }
    return
  }
  func.func @transform_0(%arg0: i32) -> (i32, i32) {
    %eq3A = arith.constant 62 : i32
    %eq3A_0 = arith.cmpi eq, %arg0, %eq3A : i32
    %jit3A = arith.constant 124 : i32
    %select_n3A = arith.select %eq3A_0, %jit3A, %arg0 : i32
    %c0_i32 = arith.constant 0 : i32
    %c0_i32_1 = arith.constant 0 : i32
    return %c0_i32, %select_n3A : i32, i32
  }
  func.func @transform_1(%arg0: i32) -> (i32, i32) {
    %eq3A = arith.constant 62 : i32
    %eq3A_0 = arith.cmpi eq, %arg0, %eq3A : i32
    %add3A = arith.constant 62 : i32
    %add3A_1 = arith.addi %arg0, %add3A : i32
    %jit3A = arith.constant 0 : i32
    %select_n3A = arith.select %eq3A_0, %jit3A, %add3A_1 : i32
    %c0_i32 = arith.constant 0 : i32
    %c0_i32_2 = arith.constant 0 : i32
    return %c0_i32, %select_n3A : i32, i32
  }
  func.func @transform_2(%arg0: i32) -> (i32, i32) {
    %c0_i32 = arith.constant 0 : i32
    %c0_i32_0 = arith.constant 0 : i32
    %c0_i32_1 = arith.constant 0 : i32
    return %c0_i32, %c0_i32_0 : i32, i32
  }
  func.func @transform_3(%arg0: i32) -> (i32, i32) {
    %c0_i32 = arith.constant 0 : i32
    %c0_i32_0 = arith.constant 0 : i32
    return %arg0, %c0_i32 : i32, i32
  }
}

module attributes {stable_mosaic.version = 14 : i64} {
  func.func @_mm_compute(%arg0: i32, %arg1: memref<1x8192x128xf32, #tpu.memory_space<vmem>>, %arg2: memref<128x128xf32, #tpu.memory_space<vmem>>, %arg3: memref<1x64x16384xf32, #tpu.memory_space<vmem>>) attributes {dimension_semantics = [#tpu.dimension_semantics<arbitrary>], iteration_bounds = array<i64: 50>, scalar_prefetch = 0 : i64, scratch_operands = 0 : i64, tpu.core_type = #tpu.core_type<tc>, window_params = [{transform_indices = @transform_0, window_bounds = array<i64: 1, 8192, 128>}, {pipeline_mode = #tpu.pipeline_mode<synchronous>, transform_indices = @transform_1, window_bounds = array<i64: 128, 128>}, {transform_indices = @transform_2, window_bounds = array<i64: 1, 64, 16384>}]} {
    %get3A = arith.constant 0 : index
    %get3A_0 = arith.constant 0 : index
    %get3A_1 = vector.load %arg2[%get3A, %get3A_0] : memref<128x128xf32, #tpu.memory_space<vmem>>, vector<128x128xf32>
    %get3A_2 = arith.constant 0 : index
    %get3A_3 = arith.constant 0 : index
    %get3A_4 = arith.constant 0 : index
    %get3A_5 = vector.load %arg1[%get3A_2, %get3A_3, %get3A_4] : memref<1x8192x128xf32, #tpu.memory_space<vmem>>, vector<1x8192x128xf32>
    %get3A_6 = vector.shape_cast %get3A_5 : vector<1x8192x128xf32> to vector<8192x128xf32>
    %dot_general3A = arith.constant dense<0.000000e+00> : vector<128x8192xf32>
    %dot_general3A_7 = tpu.matmul %get3A_1, %get3A_6, %dot_general3A {dimension_numbers = #tpu.dot_dimension_numbers<[1], [1], [0], [0], [0, 0, 1, 0], [], []>, transpose_lhs_hint = false} : vector<128x128xf32>, vector<8192x128xf32>, vector<128x8192xf32> -> vector<128x8192xf32>
    %slice3A = vector.extract_strided_slice %dot_general3A_7 {offsets = [0, 0], sizes = [64, 8192], strides = [1, 1]} : vector<128x8192xf32> to vector<64x8192xf32>
    %swap3A = arith.constant 0 : index
    %swap3A_8 = arith.constant 0 : index
    %swap3A_9 = arith.constant 0 : index
    %swap3A_10 = vector.load %arg3[%swap3A, %swap3A_8, %swap3A_9] : memref<1x64x16384xf32, #tpu.memory_space<vmem>>, vector<1x64x8192xf32>
    %swap3A_11 = vector.shape_cast %swap3A_10 : vector<1x64x8192xf32> to vector<64x8192xf32>
    %swap3A_12 = vector.shape_cast %slice3A : vector<64x8192xf32> to vector<1x64x8192xf32>
    tpu.vector_store %arg3[%swap3A, %swap3A_8, %swap3A_9], %swap3A_12 {strides = array<i32>} : memref<1x64x16384xf32, #tpu.memory_space<vmem>>, vector<1x64x8192xf32>,
    %slice3A_13 = vector.extract_strided_slice %dot_general3A_7 {offsets = [64, 0], sizes = [64, 8192], strides = [1, 1]} : vector<128x8192xf32> to vector<64x8192xf32>
    %swap3A_14 = arith.constant 0 : index
    %swap3A_15 = arith.constant 0 : index
    %swap3A_16 = arith.constant 8192 : index
    %swap3A_17 = vector.load %arg3[%swap3A_14, %swap3A_15, %swap3A_16] : memref<1x64x16384xf32, #tpu.memory_space<vmem>>, vector<1x64x8192xf32>
    %swap3A_18 = vector.shape_cast %swap3A_17 : vector<1x64x8192xf32> to vector<64x8192xf32>
    %swap3A_19 = vector.shape_cast %slice3A_13 : vector<64x8192xf32> to vector<1x64x8192xf32>
    tpu.vector_store %arg3[%swap3A_14, %swap3A_15, %swap3A_16], %swap3A_19 {strides = array<i32>} : memref<1x64x16384xf32, #tpu.memory_space<vmem>>, vector<1x64x8192xf32>,
    return
  }
  func.func @transform_0(%arg0: i32) -> (i32, i32, i32) {
    %c0_i32 = arith.constant 0 : i32
    %c0_i32_0 = arith.constant 0 : i32
    %c0_i32_1 = arith.constant 0 : i32
    return %arg0, %c0_i32, %c0_i32_0 : i32, i32, i32
  }
  func.func @transform_1(%arg0: i32) -> (i32, i32) {
    %c0_i32 = arith.constant 0 : i32
    %c0_i32_0 = arith.constant 0 : i32
    %c0_i32_1 = arith.constant 0 : i32
    return %c0_i32, %c0_i32_0 : i32, i32
  }
  func.func @transform_2(%arg0: i32) -> (i32, i32, i32) {
    %c0_i32 = arith.constant 0 : i32
    %c0_i32_0 = arith.constant 0 : i32
    %c0_i32_1 = arith.constant 0 : i32
    return %arg0, %c0_i32, %c0_i32_0 : i32, i32, i32
  }
}

</mosaic_0001>

<sc_bundles>
// kernel: kernel.5.cloned.1.call-start
scs
__scs_entry_jumppad:
0x0: {  	(pc) =	sbr.rel $0x88, $3  }
0x1: {  	(tag) =	ssettag $0x0;
	lr =	simm.s32 $0x1  }
0x2: {  	[smem:$0x3F9E] =	sst lr;
	_ =	strace $0xD0000000  }
0x3: {  	_ = 	snop  }
0x4: {  	_ = 	snop  }
0x5: {  	_ = 	snop  }
0x6: {  	_ = 	snop  }
0x7: {  	_ = 	snop  }
__scs_overlays_trampoline_lowered:
0x8: {  	[smem:$0x3FAD] =	sst s0  }
0x9: {  	[smem:$0x3FAE] =	sst s1  }
0xa: {  	[smem:$0x3FAF] =	sst s2  }
0xb: {  	[smem:$0x3FB0] =	sst s3  }
0xc: {  	[smem:$0x3FB1] =	sst s4  }
0xd: {  	[smem:$0x3FB2] =	sst s5  }
0xe: {  	[smem:$0x3FB3] =	sst s6  }
0xf: {  	[smem:$0x3FB4] =	sst s7  }
0x10: {  	[smem:$0x3FB5] =	sst s8  }
0x11: {  	[smem:$0x3FB6] =	sst s9;
	s0 =	simm.s32 @!p0 $0x0  }
0x12: {  	s1 =	sld [smem:$0x3F9C];
	s0 =	simm.s32 @p0 $0x1  }
0x13: {  	[smem:$0x3FB7] =	sst s0;
	s0 =	simm.s32 @!p1 $0x0  }
0x14: {  	s2 =	sld [smem:$0x3F9B];
	s0 =	simm.s32 @p1 $0x1  }
0x15: {  	[smem:$0x3FB8] =	sst s0;
	s0 =	simm.s32 @!p2 $0x0  }
0x16: {  	s3 =	sld [smem:$0x3FDB];
	s0 =	simm.s32 @p2 $0x1  }
0x17: {  	s4 =	simm.s32 $0x1BF5;
	[smem:$0x3FBA] =	sst s0  }
0x18: {  	s0 =	sld [smem:$0x3F9D];
	_ =	swait.ge [sflag:s4], $0x0  }
0x19: {  	s7 =	sld [smem:$0x3F9E]  }
0x1a: {  	s8 =	sadd.s32 $0xFFFFE003, lr  }
0x1b: {  	s9 =	sadd.s32 $0xFFFFFEF7, lr;
	s5 =	simm.s32 $0xFFFFFFFF;
	p2 =	slt.u32 s8, $0xFFFFF086  }
0x1c: {  	p1 =	slt.u32 s9, $0xF7A;
	s5 =	simm.s32 @!p2 $0x0  }
0x1d: {  	s5 =	simm.s32 @p1 $0x1;
	p0 =	seq.s32 s7, s2  }
0x1e: {  	s7 =	smul.u32 @!p0 $0xF7A, s2;
	p2 =	seq.s32 @!p0 s5, $0x0  }
0x1f: {  	s9 =	smul.u32 $0xF7A, s1;
	s8 =	simm.s32 @!p0 $0x1BF5;
	p2 =	por !p2, p0  }
0x20: {  	[sflag:s8] =	ssyncset.s32 @!p0 $0xFFFFF086;
	s6 =	sadd.s32 @!p0 s3, s7;
	s7 =	simm.s32 @!p0 $0x108  }
0x21: {  	s3 =	sadd.s32 s3, s9;
	s6 =	sadd.s32 @!p0 $0x88, s6;
	s7 =	simm.s32 @p2 $0x1082  }
0x22: {  	[simem:s7], [sflag:s8] =	dma.local @!p0 [hbm:s6], $0xF7A  }
0x23: {  	s9 =	sor.u32 $0xD0000000, s2;
	s6 =	simm.s32 $0x108;
	_ =	swait.ge @!p0 [sflag:s8], $0x0  }
0x24: {  	s3 =	sadd.s32 $0x88, s3;
	s6 =	simm.s32 @!p1 $0x1082;
	[sflag:s4] =	ssyncset.s32 $0xFFFFF086  }
0x25: {  	[simem:s6], [sflag:s4] =	dma.local [hbm:s3], $0xF7A  }
0x26: {  	[smem:$0x3F9E] =	sst s1;
	(tag) =	ssettag s2;
	_ =	strace s9  }
0x27: {  	s1 =	sld [smem:$0x3FAE]  }
0x28: {  	s2 =	sld [smem:$0x3FAF]  }
0x29: {  	s4 =	sld [smem:$0x3FB1]  }
0x2a: {  	p0 =	seq.s32 s5, $0x0;
	s5 =	sld [smem:$0x3FB2]  }
0x2b: {  	s6 =	sld [smem:$0x3FB3]  }
0x2c: {  	s7 =	sld [smem:$0x3FB4]  }
0x2d: {  	s3 =	simm.s32 $0x108;
	s8 =	sld [smem:$0x3FB5]  }
0x2e: {  	s3 =	simm.s32 @!p0 $0x1082;
	s9 =	sld [smem:$0x3FB6]  }
0x2f: {  	lr =	sadd.s32 s0, s3;
	s0 =	sld [smem:$0x3FAD]  }
0x30: {  	s3 =	sld [smem:$0x3FB0]  }
0x31: {  	[smem:$0x3FB9] =	sst s10  }
0x32: {  	s10 =	sld [smem:$0x3FB7];
	_ =	sdelay $0x3  }
0x33: {  	p0 =	seq.s32 s10, $0x1;
	s10 =	sld [smem:$0x3FB9];
	_ =	sdelay $0x3  }
0x34: {  	[smem:$0x3FB9] =	sst s10  }
0x35: {  	s10 =	sld [smem:$0x3FB8];
	_ =	sdelay $0x3  }
0x36: {  	p1 =	seq.s32 s10, $0x1;
	s10 =	sld [smem:$0x3FB9];
	_ =	sdelay $0x3  }
0x37: {  	[smem:$0x3FB9] =	sst s10  }
0x38: {  	s10 =	sld [smem:$0x3FBA]  }
0x39: {  	_ = 	snop;
	(pc) =	sbr.ind lr, $3  }
0x3a: {  	_ = 	snop  }
0x3b: {  	_ = 	snop  }
0x3c: {  	p2 =	seq.s32 s10, $0x1;
	s10 =	sld [smem:$0x3FB9]  }
0x3d: {  	_ =	shalt  }
0x3e: {  	_ =	shalt  }
0x3f: {  	_ =	shalt  }
0x40: {  	_ =	shalt  }
0x41: {  	_ =	shalt  }
0x42: {  	_ =	shalt  }
0x43: {  	_ =	shalt  }
0x44: {  	_ =	shalt  }
0x45: {  	_ =	shalt  }
0x46: {  	_ =	shalt  }
0x47: {  	_ =	shalt  }
0x48: {  	_ =	shalt  }
0x49: {  	_ =	shalt  }
0x4a: {  	_ =	shalt  }
0x4b: {  	_ =	shalt  }
0x4c: {  	_ =	shalt  }
0x4d: {  	_ =	shalt  }
0x4e: {  	_ =	shalt  }
0x4f: {  	_ =	shalt  }
0x50: {  	_ =	shalt  }
0x51: {  	_ =	shalt  }
0x52: {  	_ =	shalt  }
0x53: {  	_ =	shalt  }
0x54: {  	_ =	shalt  }
0x55: {  	_ =	shalt  }
0x56: {  	_ =	shalt  }
0x57: {  	_ =	shalt  }
0x58: {  	_ =	shalt  }
0x59: {  	_ =	shalt  }
0x5a: {  	_ =	shalt  }
0x5b: {  	_ =	shalt  }
0x5c: {  	_ =	shalt  }
0x5d: {  	_ =	shalt  }
0x5e: {  	_ =	shalt  }
0x5f: {  	_ =	shalt  }
0x60: {  	_ =	shalt  }
0x61: {  	_ =	shalt  }
0x62: {  	_ =	shalt  }
0x63: {  	_ =	shalt  }
0x64: {  	_ =	shalt  }
0x65: {  	_ =	shalt  }
0x66: {  	_ =	shalt  }
0x67: {  	_ =	shalt  }
0x68: {  	_ =	shalt  }
0x69: {  	_ =	shalt  }
0x6a: {  	_ =	shalt  }
0x6b: {  	_ =	shalt  }
0x6c: {  	_ =	shalt  }
0x6d: {  	_ =	shalt  }
0x6e: {  	_ =	shalt  }
0x6f: {  	_ =	shalt  }
0x70: {  	_ =	shalt  }
0x71: {  	_ =	shalt  }
0x72: {  	_ =	shalt  }
0x73: {  	_ =	shalt  }
0x74: {  	_ =	shalt  }
0x75: {  	_ =	shalt  }
0x76: {  	_ =	shalt  }
0x77: {  	_ =	shalt  }
0x78: {  	_ =	shalt  }
0x79: {  	_ =	shalt  }
0x7a: {  	_ =	shalt  }
0x7b: {  	_ =	shalt  }
0x7c: {  	_ =	shalt  }
0x7d: {  	_ =	shalt  }
0x7e: {  	_ =	shalt  }
0x7f: {  	_ =	shalt  }
0x80: {  	_ =	shalt  }
0x81: {  	_ =	shalt  }
0x82: {  	_ =	shalt  }
0x83: {  	_ =	shalt  }
0x84: {  	_ =	shalt  }
0x85: {  	_ =	shalt  }
0x86: {  	_ =	shalt  }
0x87: {  	_ =	shalt  }
.Lfunc_end0:
.L_simem_size_0:
called_computation_lowered:
.L_overlay_start_0:
0x88: {  	s2 =	sld [smem:$0x3FD9]  }
0x89: {  	s3 =	sld [smem:$0x3FFE];
	_ =	sdelay $0x1  }
0x8a: {  	s1 =	srdreg.scid  }
0x8b: {  	s0 =	sand.u32 $0x1, s1  }
0x8c: {  	s16 =	sshll.u32 s0, $0xA;
	s2 =	sadd.s32 s3, s2  }
0x8d: {  	s2 =	sadd.s32 s2, s16  }
0x8e: {  	[smem:$0x3FC5] =	sst s2  }
0x8f: {  	_ = 	snop  }
0x90: {  	(tm) =	ssettm $0x1  }
0x91: {  	s17 =	sld [smem:$0x3FFB];
	_ =	sdelay $0x3  }
0x92: {  	_ =	strace s17  }
0x93: {  	s2 =	sld [smem:$0x3FFC];
	_ =	sdelay $0x3  }
0x94: {  	_ =	strace s2  }
0x95: {  	s2 =	sld [smem:$0x3FFD];
	_ =	sdelay $0x3  }
0x96: {  	_ =	strace s2  }
0x97: {  	_ =	strace $0x8FFFFFFF  }
0x98: {  	s18 =	sld [smem:$0x3FDB];
	_ =	sdelay $0x1  }
0x99: {  	s19 =	simm.s32 $_scs_section_size  }
0x9a: {  	s4 =	simm.s32 $_size__tile_overlayer_lowered;
	s5 =	simm.s32 $_tile_overlayer_lowered  }
0x9b: {  	s22 =	simm.s32 $0x1BFF;
	s21 =	sshll.u32 s5, $0x1;
	s2 =	sadd.s32 s19, s18  }
0x9c: {  	s6 =	simm.s32 $0x0;
	s20 =	sshll.u32 s4, $0x1;
	s4 =	sadd.s32 s21, s2  }
0x9d: {  	[timem:s6], [sflag:s22] =	dma.local [hbm:s4], s20  }
0x9e: {  	_ =	swait.ge [sflag:s22], s20  }
0x9f: {  	s3 =	ssub.s32 $0x0, s20;
	[sflag:s22] =	ssyncset.done $0x0  }
0xa0: {  	[sflag:s22] =	ssyncadd.s32 s3;
	_ =	sdelay $0x1  }
0xa1: {  	s23 =	simm.s32 $0x1B8B  }
0xa2: {  	_ =	swait.ge [sflag:s23], $0x1  }
0xa3: {  	[sflag:s23] =	ssyncset.done $0x0  }
0xa4: {  	s25 =	simm.s32 $0x1B8E;
	s24 =	sld [smem:$0x3FFE];
	[sflag:s23] =	ssyncadd.s32 $0xFFFFFFFF  }
0xa5: {  	s26 =	simm.s32 $execute0_lowered;
	[smem:$0x3FD2] =	sst s25  }
0xa6: {  	s4 =	sshll.u32 s26, $0x1;
	_ =	strace $0x80000046;
	[dreg:$0x1] =	wrdreg $0xFFFFFFFF  }
0xa7: {  	s28 =	simm.s32 $_size_execute0_lowered;
	s2 =	sadd.s32 s2, s4;
	[dreg:$0x0] =	wrdreg $0x0  }
0xa8: {  	s4 =	sshll.u32 s28, $0x1;
	[dreg:$0x2] =	wrdreg s2  }
0xa9: {  	[dreg:$0x3] =	wrdreg s4  }
0xaa: {  	[dreg:$0x4] =	wrdreg $0xC0  }
0xab: {  	_ =	task [dreg:s6], $0x5FFFF  }
0xac: {  	[dreg:$0x1] =	wrdreg $0xFFFFFFFF  }
0xad: {  	[dreg:$0x0] =	wrdreg $0x60  }
0xae: {  	[dreg:$0x2] =	wrdreg s24  }
0xaf: {  	[dreg:$0x3] =	wrdreg $0x9  }
0xb0: {  	_ =	task.clear_ibuf [dreg:s6], $0x4FFFF;
	_ =	strace $0x90000046  }
0xb1: {  	s29 =	simm.s32 $0x9;
	_ =	strace $0x80000048  }
0xb2: {  	_ =	swait.ge [sflag:s29], $0x1  }
0xb3: {  	[sflag:s29] =	ssyncadd.s32 $0xFFFFFFFF  }
0xb4: {  	_ =	strace $0x90000048  }
0xb5: {  	_ =	sfence  }
0xb6: {  	s30 =	sld [smem:$0x0];
	_ =	sdelay $0x2  }
0xb7: {  	s31 =	sshll.u32 s1, $0xD;
	s1 =	sshrl.u32 s1, $0x2  }
0xb8: {  	s3 =	sand.u32 $0x4000, s31;
	s1 =	sadd.s32 s1, s30  }
0xb9: {  	s0 =	sor.u32 s3, s0;
	s1 =	sshll.u32 s1, $0x11  }
0xba: {  	s0 =	sor.u32 s1, s0  }
0xbb: {  	s0 =	sadd.s32 $0x8F2B, s0  }
0xbc: {  	[sflag:s0] =	ssyncadd.remote.s32 $0x1  }
0xbd: {  	_ =	sfence.sel $0xFFFF  }
0xbe: {  	[dreg:$0x0] =	wrdreg $0xFFFFFFFF;
	(pc) =	sbr.abs _section_cstart, $3  }
0xbf: {  	[dreg:$0x1] =	wrdreg $0xFFFFFFFF  }
0xc0: {  	_ =	task.clear_ibuf [dreg:s6], $0x2FFFF;
	_ =	strace $0x9FFFFFFF  }
0xc1: {  	(tm) =	ssettm $0x7FFFFFFF  }
tec
execute0_lowered:
.L_overlay_start_1:
0x0: {  	(tag) =	ssettag $0x1  }
0x1: {  	s1 =	srdreg.scid  }
0x2: {  	s0 =	stileid.u32;
	s4 =	rddreg [dreg:$0x0]  }
0x3: {  	s2 =	simm.s32 $0x0;
	s14 =	simm.s32 $0x5;
	s15 =	simm.s32 $0x80  }
0x4: {  	s16 =	simm.s32 $0x6400;
	s17 =	simm.s32 $0x8400;
	s18 =	simm.s32 $0x100  }
0x5: {  	s19 =	simm.s32 $0xA400;
	s20 =	simm.s32 $0x180;
	s21 =	simm.s32 $0xC400  }
0x6: {  	s22 =	simm.s32 $0x1;
	s23 =	simm.s32 $0x2;
	s11 =	smul.u32 $0x320000, s0  }
0x7: {  	s24 =	simm.s32 $0x3;
	s6 =	sand.u32 $0x1, s1;
	s29 =	smul.u32 $0xC800, s0  }
0x8: {  	s25 =	simm.s32 $0x4;
	s28 =	sshll.u32 s0, $0x1;
	s13 =	smul.u32 $0x6400, s6  }
0x9: {  	s26 =	simm.s32 $0x0;
	s3 =	sor.u32 s6, s28;
	s30 =	smul.u32 $0x190000, s6  }
0xa: {  	[smem:$0x7FF] =	sst s2;
	s12 =	sadd.s32 $0x7BAE00, s4;
	s5 =	smul.u32 $0x6400, s3  }
0xb: {  	_ =	strace $0x80000047;
	s8 =	ssub.s32 $0x2, s6;
	s7 =	smul.u32 $0x190000, s3  }
0xc: {  	s9 =	smul.u32 $0x32000, s3;
	s3 =	sadd.s32 $0x19C00, s4;
	s10 =	sshrl.u32 s8, $0x1  }
0xd: {  	s8 =	ssub.s32 s8, s10;
	s10 =	sadd.s32 s13, s29;
	s11 =	sadd.s32 s30, s11  }
0xe: {  	s5 =	sshrl.u32 s5, $0x3;
	s7 =	sshrl.u32 s7, $0x3;
	s9 =	sadd.s32 s12, s9  }
0xf: {  	s10 =	sshll.u32 s10, $0x3;
	s11 =	sshrl.u32 s11, $0x3;
	s5 =	sadd.s32 s5, s4  }
0x10: {  	s7 =	sadd.s32 s12, s7;
	s31 =	sadd.s32 s10, s12;
	s10 =	sadd.s32 s11, s12  }
0x11: {  	s4 =	sadd.s32 $0xC00, s5;
	s5 =	smax.u32 s8, $0x1;
	s6 =	sadd.s32 $0x31000, s7  }
0x12: {  	s7 =	sadd.s32 $0x31400, s9;
	s8 =	sadd.s32 $0x31800, s9;
	s9 =	sadd.s32 $0x31C00, s9  }
0x13: {  	s11 =	sadd.s32 $0xC00, s31;
	s12 =	sadd.s32 $0x800, s31;
	s13 =	sadd.s32 $0x400, s31  }
.LBB2_1:
0x14: {  	[tilespmem:s2], [sflag:$0x5] =	stream.linear.gather [hbm4b:s4+s2], $0x6400, $0x38;
	[tilespmem:$0xE400] =	vst v63  }
0x15: {  	_ =	swait.ge [sflag:s14], $0x6400  }
0x16: {  	[sflag:s14] =	ssyncset.done $0x0  }
0x17: {  	[sflag:s14] =	ssyncadd.s32 $0xFFFF9C00  }
0x18: {  	[tilespmem:s16], [sflag:$0x1] =	stream.indirect.gather [hbm4b:s3+s15], $0x40, s2, s15, $0xb8;
	[tilespmem:$0xE400] =	vst v63  }
0x19: {  	_ = 	snop  }
0x1a: {  	[tilespmem:s17], [sflag:$0x2] =	stream.indirect.gather [hbm4b:s3+s15], $0x40, s15, s15, $0xb8;
	[tilespmem:$0xE400] =	vst v63  }
0x1b: {  	_ = 	snop  }
0x1c: {  	[tilespmem:s19], [sflag:$0x3] =	stream.indirect.gather [hbm4b:s3+s15], $0x40, s18, s15, $0xb8;
	[tilespmem:$0xE400] =	vst v63  }
0x1d: {  	_ = 	snop  }
0x1e: {  	[tilespmem:s21], [sflag:$0x4] =	stream.indirect.gather [hbm4b:s3+s15], $0x40, s20, s15, $0xb8;
	[tilespmem:$0xE400] =	vst v63  }
0x1f: {  	_ =	swait.ge [sflag:s22], $0x2000  }
0x20: {  	[sflag:s22] =	ssyncset.done $0x0  }
0x21: {  	s28 =	sadd.s32 $0x0, s10;
	[sflag:s22] =	ssyncadd.s32 $0xFFFFE000  }
0x22: {  	[hbm4b:s28+s2] =	stream.linear.scatter [tilespmem:s16], [sflag:$0x5], $0x2000, $0x38;
	[tilespmem:$0xE400] =	vst v63  }
0x23: {  	_ =	swait.ge [sflag:s14], $0x2000  }
0x24: {  	[sflag:s14] =	ssyncset.done $0x0  }
0x25: {  	s28 =	simm.s32 $0x200;
	[sflag:s14] =	ssyncadd.s32 $0xFFFFE000  }
0x26: {  	[tilespmem:s16], [sflag:$0x1] =	stream.indirect.gather [hbm4b:s3+s15], $0x40, s28, s15, $0xb8;
	[tilespmem:$0xE400] =	vst v63  }
0x27: {  	_ =	swait.ge [sflag:s23], $0x2000  }
0x28: {  	[sflag:s23] =	ssyncset.done $0x0  }
0x29: {  	s28 =	sadd.s32 $0x0, s13;
	[sflag:s23] =	ssyncadd.s32 $0xFFFFE000  }
0x2a: {  	[hbm4b:s28+s2] =	stream.linear.scatter [tilespmem:s17], [sflag:$0x5], $0x2000, $0x38;
	[tilespmem:$0xE400] =	vst v63  }
0x2b: {  	_ =	swait.ge [sflag:s14], $0x2000  }
0x2c: {  	[sflag:s14] =	ssyncset.done $0x0  }
0x2d: {  	s28 =	simm.s32 $0x280;
	[sflag:s14] =	ssyncadd.s32 $0xFFFFE000  }
0x2e: {  	[tilespmem:s17], [sflag:$0x2] =	stream.indirect.gather [hbm4b:s3+s15], $0x40, s28, s15, $0xb8;
	[tilespmem:$0xE400] =	vst v63  }
0x2f: {  	_ =	swait.ge [sflag:s24], $0x2000  }
0x30: {  	[sflag:s24] =	ssyncset.done $0x0  }
0x31: {  	s28 =	sadd.s32 $0x0, s12;
	[sflag:s24] =	ssyncadd.s32 $0xFFFFE000  }
0x32: {  	[hbm4b:s28+s2] =	stream.linear.scatter [tilespmem:s19], [sflag:$0x5], $0x2000, $0x38;
	[tilespmem:$0xE400] =	vst v63  }
0x33: {  	_ =	swait.ge [sflag:s14], $0x2000  }
0x34: {  	[sflag:s14] =	ssyncset.done $0x0  }
0x35: {  	s28 =	simm.s32 $0x300;
	[sflag:s14] =	ssyncadd.s32 $0xFFFFE000  }
0x36: {  	[tilespmem:s19], [sflag:$0x3] =	stream.indirect.gather [hbm4b:s3+s15], $0x40, s28, s15, $0xb8;
	[tilespmem:$0xE400] =	vst v63  }
0x37: {  	_ =	swait.ge [sflag:s25], $0x2000  }
0x38: {  	[sflag:s25] =	ssyncset.done $0x0  }
0x39: {  	s28 =	sadd.s32 $0x0, s11;
	[sflag:s25] =	ssyncadd.s32 $0xFFFFE000  }
0x3a: {  	[hbm4b:s28+s2] =	stream.linear.scatter [tilespmem:s21], [sflag:$0x5], $0x2000, $0x38;
	[tilespmem:$0xE400] =	vst v63  }
0x3b: {  	_ =	swait.ge [sflag:s14], $0x2000  }
0x3c: {  	s29 =	simm.s32 $0x1000;
	[sflag:s14] =	ssyncset.done $0x0  }
0x3d: {  	s30 =	simm.s32 $0x580;
	s28 =	simm.s32 $0x380;
	[sflag:s14] =	ssyncadd.s32 $0xFFFFE000  }
.LBB2_2:
0x3e: {  	[tilespmem:s21], [sflag:$0x4] =	stream.indirect.gather [hbm4b:s3+s15], $0x40, s28, s15, $0xb8;
	[tilespmem:$0xE400] =	vst v63  }
0x3f: {  	s31 =	smov.u32 s29;
	s28 =	smov.u32 s30  }
0x40: {  	p0 =	sne.s32 s29, $0x30000;
	s29 =	sadd.s32 $0x1000, s29;
	_ =	swait.ge [sflag:s22], $0x2000  }
0x41: {  	[sflag:s22] =	ssyncset.done $0x0  }
0x42: {  	s1 =	sadd.s32 s31, s10;
	[sflag:s22] =	ssyncadd.s32 $0xFFFFE000  }
0x43: {  	[hbm4b:s1+s2] =	stream.linear.scatter [tilespmem:s16], [sflag:$0x5], $0x2000, $0x38;
	[tilespmem:$0xE400] =	vst v63  }
0x44: {  	_ =	swait.ge [sflag:s14], $0x2000  }
0x45: {  	[sflag:s14] =	ssyncset.done $0x0  }
0x46: {  	s1 =	sadd.s32 $0xFFFFFE80, s30;
	[sflag:s14] =	ssyncadd.s32 $0xFFFFE000  }
0x47: {  	[tilespmem:s16], [sflag:$0x1] =	stream.indirect.gather [hbm4b:s3+s15], $0x40, s1, s15, $0xb8;
	[tilespmem:$0xE400] =	vst v63  }
0x48: {  	_ =	swait.ge [sflag:s23], $0x2000  }
0x49: {  	[sflag:s23] =	ssyncset.done $0x0  }
0x4a: {  	s1 =	sadd.s32 s31, s13;
	[sflag:s23] =	ssyncadd.s32 $0xFFFFE000  }
0x4b: {  	[hbm4b:s1+s2] =	stream.linear.scatter [tilespmem:s17], [sflag:$0x5], $0x2000, $0x38;
	[tilespmem:$0xE400] =	vst v63  }
0x4c: {  	_ =	swait.ge [sflag:s14], $0x2000  }
0x4d: {  	[sflag:s14] =	ssyncset.done $0x0  }
0x4e: {  	s1 =	sadd.s32 $0xFFFFFF00, s30;
	[sflag:s14] =	ssyncadd.s32 $0xFFFFE000  }
0x4f: {  	[tilespmem:s17], [sflag:$0x2] =	stream.indirect.gather [hbm4b:s3+s15], $0x40, s1, s15, $0xb8;
	[tilespmem:$0xE400] =	vst v63  }
0x50: {  	_ =	swait.ge [sflag:s24], $0x2000  }
0x51: {  	[sflag:s24] =	ssyncset.done $0x0  }
0x52: {  	s1 =	sadd.s32 s31, s12;
	[sflag:s24] =	ssyncadd.s32 $0xFFFFE000  }
0x53: {  	[hbm4b:s1+s2] =	stream.linear.scatter [tilespmem:s19], [sflag:$0x5], $0x2000, $0x38;
	[tilespmem:$0xE400] =	vst v63  }
0x54: {  	_ =	swait.ge [sflag:s14], $0x2000  }
0x55: {  	[sflag:s14] =	ssyncset.done $0x0  }
0x56: {  	s1 =	sadd.s32 $0xFFFFFF80, s30;
	[sflag:s14] =	ssyncadd.s32 $0xFFFFE000  }
0x57: {  	[tilespmem:s19], [sflag:$0x3] =	stream.indirect.gather [hbm4b:s3+s15], $0x40, s1, s15, $0xb8;
	[tilespmem:$0xE400] =	vst v63  }
0x58: {  	_ =	swait.ge [sflag:s25], $0x2000  }
0x59: {  	[sflag:s25] =	ssyncset.done $0x0  }
.Ltmp0:
0x5a: {  	s1 =	sadd.s32 s31, s11;
	[sflag:s25] =	ssyncadd.s32 $0xFFFFE000;
	(pc) =	sbr.rel @p0 .LBB2_2-.Ltmp0, $4  }
0x5b: {  	[hbm4b:s1+s2] =	stream.linear.scatter [tilespmem:s21], [sflag:$0x5], $0x2000, $0x38;
	[tilespmem:$0xE400] =	vst v63  }
0x5c: {  	_ =	swait.ge [sflag:s14], $0x2000  }
0x5d: {  	[sflag:s14] =	ssyncset.done $0x0  }
0x5e: {  	s30 =	sadd.s32 $0x200, s30;
	[sflag:s14] =	ssyncadd.s32 $0xFFFFE000  }
0x5f: {  	[tilespmem:s21], [sflag:$0x4] =	stream.indirect.gather [hbm4b:s3+s15], $0x40, s28, s15, $0xb8;
	[tilespmem:$0xE400] =	vst v63  }
0x60: {  	_ =	swait.ge [sflag:s22], $0x2000  }
0x61: {  	[sflag:s22] =	ssyncset.done $0x0  }
0x62: {  	[sflag:s22] =	ssyncadd.s32 $0xFFFFE000  }
0x63: {  	[hbm4b:s6+s2] =	stream.linear.scatter [tilespmem:s16], [sflag:$0x5], $0x2000, $0x38;
	[tilespmem:$0xE400] =	vst v63  }
0x64: {  	_ =	swait.ge [sflag:s14], $0x2000  }
0x65: {  	[sflag:s14] =	ssyncset.done $0x0  }
0x66: {  	[sflag:s14] =	ssyncadd.s32 $0xFFFFE000  }
0x67: {  	_ =	swait.ge [sflag:s23], $0x2000  }
0x68: {  	[sflag:s23] =	ssyncset.done $0x0  }
0x69: {  	[sflag:s23] =	ssyncadd.s32 $0xFFFFE000  }
0x6a: {  	[hbm4b:s7+s2] =	stream.linear.scatter [tilespmem:s17], [sflag:$0x5], $0x2000, $0x38;
	[tilespmem:$0xE400] =	vst v63  }
0x6b: {  	_ =	swait.ge [sflag:s14], $0x2000  }
0x6c: {  	[sflag:s14] =	ssyncset.done $0x0  }
0x6d: {  	[sflag:s14] =	ssyncadd.s32 $0xFFFFE000  }
0x6e: {  	_ =	swait.ge [sflag:s24], $0x2000  }
0x6f: {  	[sflag:s24] =	ssyncset.done $0x0  }
0x70: {  	[sflag:s24] =	ssyncadd.s32 $0xFFFFE000  }
0x71: {  	[hbm4b:s8+s2] =	stream.linear.scatter [tilespmem:s19], [sflag:$0x5], $0x2000, $0x38;
	[tilespmem:$0xE400] =	vst v63  }
0x72: {  	_ =	swait.ge [sflag:s14], $0x2000  }
0x73: {  	[sflag:s14] =	ssyncset.done $0x0  }
0x74: {  	[sflag:s14] =	ssyncadd.s32 $0xFFFFE000  }
0x75: {  	s26 =	sadd.s32 $0x1, s26;
	_ =	swait.ge [sflag:s25], $0x2000  }
0x76: {  	p0 =	sne.s32 s26, s5;
	[sflag:s25] =	ssyncset.done $0x0  }
.Ltmp1:
0x77: {  	[sflag:s25] =	ssyncadd.s32 $0xFFFFE000;
	(pc) =	sbr.rel @p0 .LBB2_1-.Ltmp1, $4  }
0x78: {  	[hbm4b:s9+s2] =	stream.linear.scatter [tilespmem:s21], [sflag:$0x5], $0x2000, $0x38;
	[tilespmem:$0xE400] =	vst v63  }
0x79: {  	_ =	swait.ge [sflag:s14], $0x2000  }
0x7a: {  	[sflag:s14] =	ssyncset.done $0x0  }
0x7b: {  	[sflag:s14] =	ssyncadd.s32 $0xFFFFE000  }
0x7c: {  	_ =	sfence.sel $0x180000  }
0x7d: {  	[bflag:$0x0] =	sbarrier.arrive $0xFFFF  }
0x7e: {  	_ =	strace $0x90000047  }
0x7f: {  	[bflag:$0x2] =	sbarrier.arrive $0xFFFF  }
0x80: {  	p0 =	sne.s32 s0, $0x0;
	s0 =	rddreg [dreg:$0x1]  }
0x81: {  	s0 =	sadd.s32 @!p0 $0x100000, s0  }
0x82: {  	[sflag:s0] =	ssyncadd.tile.s32 @!p0 $0x1;
	_ =	shalt  }
.Lfunc_end2:
_tile_overlayer_lowered:
.L_overlay_start_2:
0x83: {  	(tag) =	ssettag $0x2  }
0x84: {  	s0 =	rddreg [dreg:$0x0];
	s2 =	stileid.u32  }
0x85: {  	s1 =	rddreg [dreg:$0x1];
	p0 =	sne.s32 s2, $0x0  }
0x86: {  	s3 =	rddreg [dreg:$0x2];
	[bflag:$0x3] =	sbarrier.arrive $0xFFFF;
	s2 =	simm.s32 @!p0 $0x1C05  }
0x87: {  	[timem:s3], [sflag:s2] =	dma.local @!p0 [hbm:s0], s1  }
0x88: {  	s0 =	simm.s32 @!p0 $0x5  }
0x89: {  	_ =	swait.ge @!p0 [sflag:s0], s1  }
0x8a: {  	s1 =	ssub.s32 @!p0 $0x0, s1;
	[sflag:s0] =	ssyncset.done @!p0 $0x0  }
0x8b: {  	[sflag:s0] =	ssyncadd.s32 @!p0 s1  }
0x8c: {  	[bflag:$0x3] =	sbarrier.arrive $0xFFFF  }
0x8d: {  	_ =	shalt  }

</sc_bundles>
